<compile_context>
chip_gen: v7x
topology: tpu7x:2x2x1
jax: 0.10.2.dev20260603
libtpu: 0.0.44.dev20260713+nightly
codegen_flags: <defaults>
</compile_context>

<pallas_src>
import functools

import jax
import jax.numpy as jnp
from jax import lax
from jax.experimental import pallas as pl
from jax.experimental.pallas import tpu as pltpu
from jax.experimental.pallas import tpu_sc as plsc

N_SPECIES = 95
N_ATOMS = 10000
N_PAIRS = 640000
S6 = 1.0
S8 = 0.2641
A2 = 5.4959
K6 = float(A2**6)
K8 = float(A2**8)

NC = 2
NS = 16
L = 16
NW = NC * NS
CHUNK = 2560
NCHUNK = N_PAIRS // CHUNK
PHASES = 2 * (-(-NCHUNK // (2 * NW)))
CSTEPS = CHUNK // L


def _body(species_hbm, aidx_hbm, dist_hbm, ctab_hbm,
          out_hbm, species_v, ctab_v, idx_a, idx_b, dist_a, dist_b,
          acc_v, sem_tab, sem0, sem1):
    wid = lax.axis_index("s") * NC + lax.axis_index("c")
    bufs = ((idx_a, dist_a, sem0), (idx_b, dist_b, sem1))

    def chunk_id(j):
        return jnp.minimum(wid + NW * j, NCHUNK - 1)

    def fire(j, buf):
        ib, db, sem = bufs[buf]
        off = chunk_id(j) * CHUNK
        return (
            pltpu.async_copy(aidx_hbm.at[:, pl.ds(off, CHUNK)], ib, sem),
            pltpu.async_copy(dist_hbm.at[pl.ds(off, CHUNK)], db, sem),
        )

    tab_copies = (
        pltpu.async_copy(species_hbm, species_v, sem_tab),
        pltpu.async_copy(ctab_hbm, ctab_v, sem_tab),
    )
    fire(0, 0)
    fire(1, 1)
    for cp in tab_copies:
        cp.wait()

    def phase(j, acc, buf):
        ib, db, sem = bufs[buf]
        pltpu.make_async_copy(aidx_hbm.at[:, pl.ds(0, CHUNK)], ib, sem).wait()
        pltpu.make_async_copy(dist_hbm.at[pl.ds(0, CHUNK)], db, sem).wait()

        def step(i, a):
            off = i * L
            i0 = ib[0, pl.ds(off, L)]
            i1 = ib[1, pl.ds(off, L)]
            d = db[pl.ds(off, L)]
            s0 = plsc.load_gather(species_v, [i0])
            s1 = plsc.load_gather(species_v, [i1])
            cc = plsc.load_gather(ctab_v, [s0, s1])
            c6 = plsc.bitcast(cc << 16, jnp.float32)
            c8 = plsc.bitcast(cc & jnp.int32(-65536), jnp.float32)
            d2 = d * d
            d4 = d2 * d2
            d6 = d4 * d2
            d8 = d4 * d4
            den6 = d6 + K6
            den8 = d8 + K8
            num = c6 * den8 + (S8 * c8) * den6
            return a + num / (den6 * den8)

        c_acc = lax.fori_loop(0, CSTEPS, step, jnp.zeros((L,), jnp.float32))
        valid = (wid + NW * j < NCHUNK).astype(jnp.float32)
        fire(j + 2, buf)
        return acc + c_acc * jnp.broadcast_to(valid, (L,))

    def pair(g, acc):
        acc = phase(2 * g, acc, 0)
        return phase(2 * g + 1, acc, 1)

    acc = lax.fori_loop(0, PHASES // 2, pair, jnp.zeros((L,), jnp.float32))

    for buf in (0, 1):
        ib, db, sem = bufs[buf]
        pltpu.make_async_copy(aidx_hbm.at[:, pl.ds(0, CHUNK)], ib, sem).wait()
        pltpu.make_async_copy(dist_hbm.at[pl.ds(0, CHUNK)], db, sem).wait()

    acc_v[...] = acc
    pltpu.sync_copy(acc_v, out_hbm.at[wid])


_disp = functools.partial(
    pl.kernel,
    out_type=jax.ShapeDtypeStruct((NW, L), jnp.float32),
    mesh=plsc.VectorSubcoreMesh(core_axis_name="c", subcore_axis_name="s"),
    compiler_params=pltpu.CompilerParams(needs_layout_passes=False),
    scratch_types=[
        pltpu.VMEM((N_ATOMS,), jnp.int32),
        pltpu.VMEM((N_SPECIES, N_SPECIES), jnp.int32),
        pltpu.VMEM((2, CHUNK), jnp.int32),
        pltpu.VMEM((2, CHUNK), jnp.int32),
        pltpu.VMEM((CHUNK,), jnp.float32),
        pltpu.VMEM((CHUNK,), jnp.float32),
        pltpu.VMEM((L,), jnp.float32),
        pltpu.SemaphoreType.DMA,
        pltpu.SemaphoreType.DMA,
        pltpu.SemaphoreType.DMA,
    ],
)(_body)


def kernel(species, energies, atom_index12, distances, c6_table, c8_table):
    c6u = jax.lax.bitcast_convert_type(
        c6_table.astype(jnp.bfloat16), jnp.uint16).astype(jnp.int32)
    c8u = jax.lax.bitcast_convert_type(
        c8_table.astype(jnp.bfloat16), jnp.uint16).astype(jnp.int32)
    partials = _disp(species.reshape(-1), atom_index12, distances,
                     c6u | (c8u << 16))
    return species, energies - 0.5 * jnp.sum(partials)

# --- scband reference (transcript-rebuilt; emitter-appended) ---
"""Pipeline reference for scband-dispersion-d3-25262997635425 (READ-ONLY COPY).

The authoritative reference and input builder live on the scoring server;
editing this copy changes nothing except your own understanding.
"""

import jax, jax.numpy as jnp
import numpy as np

N_SPECIES = 95
N_ATOMS = 10000
N_PAIRS = 640000
S6 = 1.0
S8 = 0.2641
A1 = 0.0
A2 = 5.4959


def setup_inputs(seed: int = 0) -> dict:
    key = jax.random.key(seed)
    k1, k2, k3, k4, k5, k6 = jax.random.split(key, 6)
    species = jax.random.randint(k1, (1, N_ATOMS), 0, N_SPECIES, dtype=jnp.int32)
    energies = jax.random.normal(k2, (1,), dtype=jnp.float32)
    atom_index12 = jax.random.randint(k3, (2, N_PAIRS), 0, N_ATOMS, dtype=jnp.int32)
    distances = jax.random.uniform(k4, (N_PAIRS,), minval=1.5, maxval=12.0, dtype=jnp.float32)
    c6 = jax.random.uniform(k5, (N_SPECIES, N_SPECIES), minval=1.0, maxval=50.0, dtype=jnp.float32)
    c6_table = 0.5 * (c6 + c6.T)
    c8 = jax.random.uniform(k6, (N_SPECIES, N_SPECIES), minval=1.0, maxval=200.0, dtype=jnp.float32)
    c8_table = 0.5 * (c8 + c8.T)
    return {
        "species": species,
        "energies": energies,
        "atom_index12": atom_index12,
        "distances": distances,
        "c6_table": c6_table,
        "c8_table": c8_table,
    }


def reference(species, energies, atom_index12, distances, c6_table, c8_table):
    # cutoff radii buffer: sqrt(C8 / C6), per species pair
    cutoff_radii = jnp.sqrt(c8_table / c6_table)
    # gather species of each atom in every pair -> [2, E]
    species12 = species.reshape(-1)[atom_index12]
    # pairwise coefficient lookups (embedding-style gathers from [95,95] tables)
    order6_coeffs = c6_table[species12[0], species12[1]]
    order8_coeffs = c8_table[species12[0], species12[1]]
    r_cut = cutoff_radii[species12[0], species12[1]]
    # rational (Becke-Johnson) damping: d^n + (a1*Rc + a2)^n
    damp_base = A1 * r_cut + A2
    distances_damp6 = jnp.power(distances, 6) + jnp.power(damp_base, 6)
    distances_damp8 = jnp.power(distances, 8) + jnp.power(damp_base, 8)
    two_body_dispersion = S6 * order6_coeffs / distances_damp6 + S8 * order8_coeffs / distances_damp8
    three_body_dispersion = 0.0
    dispersion_correction = -(0.5 * two_body_dispersion + (1.0 / 6.0) * three_body_dispersion).sum()
    energies = energies + dispersion_correction
    return species, energies

if __name__ == "__main__":
    import jax
    _d = setup_inputs()
    print(jax.jit(kernel)(*tuple(_d.values())))

</pallas_src>

<mosaic_0001>
#map = affine_map<(d0, d1) -> (0)>
#map1 = affine_map<(d0, d1) -> (0, 0)>
module attributes {stable_mosaic.version = 14 : i64} {
  func.func @_body(%arg0: i32, %arg1: i32, %arg2: memref<10000xi32, #tpu.memory_space<hbm>>, %arg3: memref<2x640000xi32, #tpu.memory_space<hbm>>, %arg4: memref<640000xf32, #tpu.memory_space<hbm>>, %arg5: memref<95x95xi32, #tpu.memory_space<hbm>>, %arg6: memref<32x16xf32, #tpu.memory_space<hbm>>, %arg7: memref<10000xi32, #tpu.memory_space<vmem>>, %arg8: memref<95x95xi32, #tpu.memory_space<vmem>>, %arg9: memref<2x2560xi32, #tpu.memory_space<vmem>>, %arg10: memref<2x2560xi32, #tpu.memory_space<vmem>>, %arg11: memref<2560xf32, #tpu.memory_space<vmem>>, %arg12: memref<2560xf32, #tpu.memory_space<vmem>>, %arg13: memref<16xf32, #tpu.memory_space<vmem>>, %arg14: memref<!tpu.dma_semaphore, #tpu.memory_space<semaphore_mem>>, %arg15: memref<!tpu.dma_semaphore, #tpu.memory_space<semaphore_mem>>, %arg16: memref<!tpu.dma_semaphore, #tpu.memory_space<semaphore_mem>>) attributes {dimension_semantics = [#tpu.dimension_semantics<core_parallel>, #tpu.dimension_semantics<subcore_parallel>], iteration_bounds = array<i64: 2, 16>, scalar_prefetch = 0 : i64, scratch_operands = 10 : i64, tpu.core_type = #tpu.core_type<sc_vector_subcore>, window_params = [{transform_indices = #map}, {transform_indices = #map1}, {transform_indices = #map}, {transform_indices = #map1}, {transform_indices = #map1}]} {
    %mul3A = arith.constant 2 : i32
    %mul3A_0 = arith.muli %arg1, %mul3A : i32
    %add3A = arith.addi %mul3A_0, %arg0 : i32
    tpu.enqueue_dma source(%arg2 : memref<10000xi32, #tpu.memory_space<hbm>>) target(%arg7 : memref<10000xi32, #tpu.memory_space<vmem>>) target_semaphore(%arg14 : memref<!tpu.dma_semaphore, #tpu.memory_space<semaphore_mem>>)
    tpu.enqueue_dma source(%arg5 : memref<95x95xi32, #tpu.memory_space<hbm>>) target(%arg8 : memref<95x95xi32, #tpu.memory_space<vmem>>) target_semaphore(%arg14 : memref<!tpu.dma_semaphore, #tpu.memory_space<semaphore_mem>>)
    %add3A_1 = arith.constant 0 : i32
    %add3A_2 = arith.addi %add3A, %add3A_1 : i32
    %min3A = arith.constant 249 : i32
    %min3A_3 = arith.minsi %add3A_2, %min3A : i32
    %mul3A_4 = arith.constant 2560 : i32
    %mul3A_5 = arith.muli %min3A_3, %mul3A_4 : i32
    %dma_start3A = arith.constant 0 : i32
    %dma_start3A_6 = tpu.memref_slice %arg3[%dma_start3A, %mul3A_5] : memref<2x640000xi32, #tpu.memory_space<hbm>> -> memref<2x2560xi32, #tpu.memory_space<hbm>>
    %dma_start3A_7 = arith.constant 0 : i32
    %dma_start3A_8 = tpu.memref_slice %arg3[%dma_start3A_7, %mul3A_5] : memref<2x640000xi32, #tpu.memory_space<hbm>> -> memref<2x2560xi32, #tpu.memory_space<hbm>>
    tpu.enqueue_dma source(%dma_start3A_8 : memref<2x2560xi32, #tpu.memory_space<hbm>>) target(%arg9 : memref<2x2560xi32, #tpu.memory_space<vmem>>) target_semaphore(%arg15 : memref<!tpu.dma_semaphore, #tpu.memory_space<semaphore_mem>>)
    %dma_start3A_9 = tpu.memref_slice %arg4[%mul3A_5] : memref<640000xf32, #tpu.memory_space<hbm>> -> memref<2560xf32, #tpu.memory_space<hbm>>
    %dma_start3A_10 = tpu.memref_slice %arg4[%mul3A_5] : memref<640000xf32, #tpu.memory_space<hbm>> -> memref<2560xf32, #tpu.memory_space<hbm>>
    tpu.enqueue_dma source(%dma_start3A_10 : memref<2560xf32, #tpu.memory_space<hbm>>) target(%arg11 : memref<2560xf32, #tpu.memory_space<vmem>>) target_semaphore(%arg15 : memref<!tpu.dma_semaphore, #tpu.memory_space<semaphore_mem>>)
    %add3A_11 = arith.constant 32 : i32
    %add3A_12 = arith.addi %add3A, %add3A_11 : i32
    %min3A_13 = arith.constant 249 : i32
    %min3A_14 = arith.minsi %add3A_12, %min3A_13 : i32
    %mul3A_15 = arith.constant 2560 : i32
    %mul3A_16 = arith.muli %min3A_14, %mul3A_15 : i32
    %dma_start3A_17 = arith.constant 0 : i32
    %dma_start3A_18 = tpu.memref_slice %arg3[%dma_start3A_17, %mul3A_16] : memref<2x640000xi32, #tpu.memory_space<hbm>> -> memref<2x2560xi32, #tpu.memory_space<hbm>>
    %dma_start3A_19 = arith.constant 0 : i32
    %dma_start3A_20 = tpu.memref_slice %arg3[%dma_start3A_19, %mul3A_16] : memref<2x640000xi32, #tpu.memory_space<hbm>> -> memref<2x2560xi32, #tpu.memory_space<hbm>>
    tpu.enqueue_dma source(%dma_start3A_20 : memref<2x2560xi32, #tpu.memory_space<hbm>>) target(%arg10 : memref<2x2560xi32, #tpu.memory_space<vmem>>) target_semaphore(%arg16 : memref<!tpu.dma_semaphore, #tpu.memory_space<semaphore_mem>>)
    %dma_start3A_21 = tpu.memref_slice %arg4[%mul3A_16] : memref<640000xf32, #tpu.memory_space<hbm>> -> memref<2560xf32, #tpu.memory_space<hbm>>
    %dma_start3A_22 = tpu.memref_slice %arg4[%mul3A_16] : memref<640000xf32, #tpu.memory_space<hbm>> -> memref<2560xf32, #tpu.memory_space<hbm>>
    tpu.enqueue_dma source(%dma_start3A_22 : memref<2560xf32, #tpu.memory_space<hbm>>) target(%arg12 : memref<2560xf32, #tpu.memory_space<vmem>>) target_semaphore(%arg16 : memref<!tpu.dma_semaphore, #tpu.memory_space<semaphore_mem>>)
    tpu.wait_dma2 semaphore(%arg14 : memref<!tpu.dma_semaphore, #tpu.memory_space<semaphore_mem>>) src(%arg2 : memref<10000xi32, #tpu.memory_space<hbm>>) dst(%arg7 : memref<10000xi32, #tpu.memory_space<vmem>>)
    tpu.wait_dma2 semaphore(%arg14 : memref<!tpu.dma_semaphore, #tpu.memory_space<semaphore_mem>>) src(%arg5 : memref<95x95xi32, #tpu.memory_space<hbm>>) dst(%arg8 : memref<95x95xi32, #tpu.memory_space<vmem>>)
    %broadcast_in_dim3A = arith.constant 0.000000e+00 : f32
    %broadcast_in_dim3A_23 = vector.broadcast %broadcast_in_dim3A : f32 to vector<16xf32>
    %scan3A = arith.constant 0 : i32
    %scan3A_24 = arith.constant 4 : i32
    %scan3A_25 = arith.addi %scan3A, %scan3A_24 : i32
    %scan3A_26 = arith.constant 1 : i32
    %scan3A_27 = scf.for %scan3A_49 = %scan3A to %scan3A_25 step %scan3A_26 iter_args(%scan3A_50 = %broadcast_in_dim3A_23) -> (vector<16xf32>)  : i32 {
      %mul3A_51 = arith.constant 2 : i32
      %mul3A_52 = arith.muli %mul3A_51, %scan3A_49 : i32
      %dma_wait3A_53 = arith.constant 0 : i32
      %dma_wait3A_54 = arith.constant 0 : i32
      %dma_wait3A_55 = tpu.memref_slice %arg3[%dma_wait3A_53, %dma_wait3A_54] : memref<2x640000xi32, #tpu.memory_space<hbm>> -> memref<2x2560xi32, #tpu.memory_space<hbm>>
      %dma_wait3A_56 = arith.constant 0 : i32
      %dma_wait3A_57 = arith.constant 0 : i32
      %dma_wait3A_58 = tpu.memref_slice %arg3[%dma_wait3A_56, %dma_wait3A_57] : memref<2x640000xi32, #tpu.memory_space<hbm>> -> memref<2x2560xi32, #tpu.memory_space<hbm>>
      tpu.wait_dma2 semaphore(%arg15 : memref<!tpu.dma_semaphore, #tpu.memory_space<semaphore_mem>>) src(%dma_wait3A_58 : memref<2x2560xi32, #tpu.memory_space<hbm>>) dst(%arg9 : memref<2x2560xi32, #tpu.memory_space<vmem>>)
      %dma_wait3A_59 = arith.constant 0 : i32
      %dma_wait3A_60 = tpu.memref_slice %arg4[%dma_wait3A_59] : memref<640000xf32, #tpu.memory_space<hbm>> -> memref<2560xf32, #tpu.memory_space<hbm>>
      %dma_wait3A_61 = arith.constant 0 : i32
      %dma_wait3A_62 = tpu.memref_slice %arg4[%dma_wait3A_61] : memref<640000xf32, #tpu.memory_space<hbm>> -> memref<2560xf32, #tpu.memory_space<hbm>>
      tpu.wait_dma2 semaphore(%arg15 : memref<!tpu.dma_semaphore, #tpu.memory_space<semaphore_mem>>) src(%dma_wait3A_62 : memref<2560xf32, #tpu.memory_space<hbm>>) dst(%arg11 : memref<2560xf32, #tpu.memory_space<vmem>>)
      %broadcast_in_dim3A_63 = arith.constant 0.000000e+00 : f32
      %broadcast_in_dim3A_64 = vector.broadcast %broadcast_in_dim3A_63 : f32 to vector<16xf32>
      %scan3A_65 = arith.constant 0 : i32
      %scan3A_66 = arith.constant 160 : i32
      %scan3A_67 = arith.addi %scan3A_65, %scan3A_66 : i32
      %scan3A_68 = arith.constant 1 : i32
      %scan3A_69 = scf.for %scan3A_141 = %scan3A_65 to %scan3A_67 step %scan3A_68 iter_args(%scan3A_142 = %broadcast_in_dim3A_64) -> (vector<16xf32>)  : i32 {
        %mul3A_143 = arith.constant 16 : i32
        %mul3A_144 = arith.muli %scan3A_141, %mul3A_143 : i32
        %get3A = arith.constant 0 : i32
        %get3A_145 = arith.index_cast %get3A : i32 to index
        %get3A_146 = arith.index_cast %mul3A_144 : i32 to index
        %get3A_147 = tpu.vector_load %arg9[%get3A_145, %get3A_146] {strides = array<i32>} : memref<2x2560xi32, #tpu.memory_space<vmem>>, vector<16xi32>,
        %get3A_148 = arith.constant 1 : i32
        %get3A_149 = arith.index_cast %get3A_148 : i32 to index
        %get3A_150 = arith.index_cast %mul3A_144 : i32 to index
        %get3A_151 = tpu.vector_load %arg9[%get3A_149, %get3A_150] {strides = array<i32>} : memref<2x2560xi32, #tpu.memory_space<vmem>>, vector<16xi32>,
        %get3A_152 = arith.index_cast %mul3A_144 : i32 to index
        %get3A_153 = tpu.vector_load %arg11[%get3A_152] {strides = array<i32>} : memref<2560xf32, #tpu.memory_space<vmem>>, vector<16xf32>,
        %gather3A = tpu.vector_load_idx %arg7[%get3A_147] : memref<10000xi32, #tpu.memory_space<vmem>>[vector<16xi32>], vector<16xi32>,
        %gather3A_154 = tpu.vector_load_idx %arg7[%get3A_151] : memref<10000xi32, #tpu.memory_space<vmem>>[vector<16xi32>], vector<16xi32>,
        %gather3A_155 = tpu.vector_load_idx %arg8[%gather3A, %gather3A_154] : memref<95x95xi32, #tpu.memory_space<vmem>>[vector<16xi32>, vector<16xi32>], vector<16xi32>,
        %shift_left3A = arith.constant 16 : i32
        %shift_left3A_156 = vector.broadcast %shift_left3A : i32 to vector<16xi32>
        %shift_left3A_157 = arith.shli %gather3A_155, %shift_left3A_156 : vector<16xi32>
        %bitcast3A = vector.bitcast %shift_left3A_157 : vector<16xi32> to vector<16xf32>
        %and3A = arith.constant -65536 : i32
        %and3A_158 = vector.broadcast %and3A : i32 to vector<16xi32>
        %and3A_159 = arith.andi %gather3A_155, %and3A_158 : vector<16xi32>
        %bitcast3A_160 = vector.bitcast %and3A_159 : vector<16xi32> to vector<16xf32>
        %mul3A_161 = arith.mulf %get3A_153, %get3A_153 : vector<16xf32>
        %mul3A_162 = arith.mulf %mul3A_161, %mul3A_161 : vector<16xf32>
        %mul3A_163 = arith.mulf %mul3A_162, %mul3A_161 : vector<16xf32>
        %mul3A_164 = arith.mulf %mul3A_162, %mul3A_162 : vector<16xf32>
        %add3A_165 = arith.constant 27557.0625 : f32
        %add3A_166 = vector.broadcast %add3A_165 : f32 to vector<16xf32>
        %add3A_167 = arith.addf %mul3A_163, %add3A_166 : vector<16xf32>
        %add3A_168 = arith.constant 832358.813 : f32
        %add3A_169 = vector.broadcast %add3A_168 : f32 to vector<16xf32>
        %add3A_170 = arith.addf %mul3A_164, %add3A_169 : vector<16xf32>
        %mul3A_171 = arith.mulf %bitcast3A, %add3A_170 : vector<16xf32>
        %mul3A_172 = arith.constant 2.641000e-01 : f32
        %mul3A_173 = vector.broadcast %mul3A_172 : f32 to vector<16xf32>
        %mul3A_174 = arith.mulf %mul3A_173, %bitcast3A_160 : vector<16xf32>
        %mul3A_175 = arith.mulf %mul3A_174, %add3A_167 : vector<16xf32>
        %add3A_176 = arith.addf %mul3A_171, %mul3A_175 : vector<16xf32>
        %mul3A_177 = arith.mulf %add3A_167, %add3A_170 : vector<16xf32>
        %div3A = arith.divf %add3A_176, %mul3A_177 : vector<16xf32>
        %add3A_178 = arith.addf %scan3A_142, %div3A : vector<16xf32>
        scf.yield %add3A_178 : vector<16xf32>
      }
      %scan3A_70 = arith.constant 160 : i32
      %mul3A_71 = arith.constant 32 : i32
      %mul3A_72 = arith.muli %mul3A_71, %mul3A_52 : i32
      %add3A_73 = arith.addi %add3A, %mul3A_72 : i32
      %lt3A = arith.constant 250 : i32
      %lt3A_74 = arith.cmpi slt, %add3A_73, %lt3A : i32
      %convert_element_type3A = arith.extui %lt3A_74 : i1 to i32
      %convert_element_type3A_75 = arith.sitofp %convert_element_type3A : i32 to f32
      %add3A_76 = arith.constant 2 : i32
      %add3A_77 = arith.addi %mul3A_52, %add3A_76 : i32
      %mul3A_78 = arith.constant 32 : i32
      %mul3A_79 = arith.muli %mul3A_78, %add3A_77 : i32
      %add3A_80 = arith.addi %add3A, %mul3A_79 : i32
      %min3A_81 = arith.constant 249 : i32
      %min3A_82 = arith.minsi %add3A_80, %min3A_81 : i32
      %mul3A_83 = arith.constant 2560 : i32
      %mul3A_84 = arith.muli %min3A_82, %mul3A_83 : i32
      %dma_start3A_85 = arith.constant 0 : i32
      %dma_start3A_86 = tpu.memref_slice %arg3[%dma_start3A_85, %mul3A_84] : memref<2x640000xi32, #tpu.memory_space<hbm>> -> memref<2x2560xi32, #tpu.memory_space<hbm>>
      %dma_start3A_87 = arith.constant 0 : i32
      %dma_start3A_88 = tpu.memref_slice %arg3[%dma_start3A_87, %mul3A_84] : memref<2x640000xi32, #tpu.memory_space<hbm>> -> memref<2x2560xi32, #tpu.memory_space<hbm>>
      tpu.enqueue_dma source(%dma_start3A_88 : memref<2x2560xi32, #tpu.memory_space<hbm>>) target(%arg9 : memref<2x2560xi32, #tpu.memory_space<vmem>>) target_semaphore(%arg15 : memref<!tpu.dma_semaphore, #tpu.memory_space<semaphore_mem>>)
      %dma_start3A_89 = tpu.memref_slice %arg4[%mul3A_84] : memref<640000xf32, #tpu.memory_space<hbm>> -> memref<2560xf32, #tpu.memory_space<hbm>>
      %dma_start3A_90 = tpu.memref_slice %arg4[%mul3A_84] : memref<640000xf32, #tpu.memory_space<hbm>> -> memref<2560xf32, #tpu.memory_space<hbm>>
      tpu.enqueue_dma source(%dma_start3A_90 : memref<2560xf32, #tpu.memory_space<hbm>>) target(%arg11 : memref<2560xf32, #tpu.memory_space<vmem>>) target_semaphore(%arg15 : memref<!tpu.dma_semaphore, #tpu.memory_space<semaphore_mem>>)
      %broadcast_in_dim3A_91 = vector.broadcast %convert_element_type3A_75 : f32 to vector<16xf32>
      %mul3A_92 = arith.mulf %scan3A_69, %broadcast_in_dim3A_91 : vector<16xf32>
      %add3A_93 = arith.addf %scan3A_50, %mul3A_92 : vector<16xf32>
      %mul3A_94 = arith.constant 2 : i32
      %mul3A_95 = arith.muli %mul3A_94, %scan3A_49 : i32
      %add3A_96 = arith.constant 1 : i32
      %add3A_97 = arith.addi %mul3A_95, %add3A_96 : i32
      %dma_wait3A_98 = arith.constant 0 : i32
      %dma_wait3A_99 = arith.constant 0 : i32
      %dma_wait3A_100 = tpu.memref_slice %arg3[%dma_wait3A_98, %dma_wait3A_99] : memref<2x640000xi32, #tpu.memory_space<hbm>> -> memref<2x2560xi32, #tpu.memory_space<hbm>>
      %dma_wait3A_101 = arith.constant 0 : i32
      %dma_wait3A_102 = arith.constant 0 : i32
      %dma_wait3A_103 = tpu.memref_slice %arg3[%dma_wait3A_101, %dma_wait3A_102] : memref<2x640000xi32, #tpu.memory_space<hbm>> -> memref<2x2560xi32, #tpu.memory_space<hbm>>
      tpu.wait_dma2 semaphore(%arg16 : memref<!tpu.dma_semaphore, #tpu.memory_space<semaphore_mem>>) src(%dma_wait3A_103 : memref<2x2560xi32, #tpu.memory_space<hbm>>) dst(%arg10 : memref<2x2560xi32, #tpu.memory_space<vmem>>)
      %dma_wait3A_104 = arith.constant 0 : i32
      %dma_wait3A_105 = tpu.memref_slice %arg4[%dma_wait3A_104] : memref<640000xf32, #tpu.memory_space<hbm>> -> memref<2560xf32, #tpu.memory_space<hbm>>
      %dma_wait3A_106 = arith.constant 0 : i32
      %dma_wait3A_107 = tpu.memref_slice %arg4[%dma_wait3A_106] : memref<640000xf32, #tpu.memory_space<hbm>> -> memref<2560xf32, #tpu.memory_space<hbm>>
      tpu.wait_dma2 semaphore(%arg16 : memref<!tpu.dma_semaphore, #tpu.memory_space<semaphore_mem>>) src(%dma_wait3A_107 : memref<2560xf32, #tpu.memory_space<hbm>>) dst(%arg12 : memref<2560xf32, #tpu.memory_space<vmem>>)
      %broadcast_in_dim3A_108 = arith.constant 0.000000e+00 : f32
      %broadcast_in_dim3A_109 = vector.broadcast %broadcast_in_dim3A_108 : f32 to vector<16xf32>
      %scan3A_110 = arith.constant 0 : i32
      %scan3A_111 = arith.constant 160 : i32
      %scan3A_112 = arith.addi %scan3A_110, %scan3A_111 : i32
      %scan3A_113 = arith.constant 1 : i32
      %scan3A_114 = scf.for %scan3A_141 = %scan3A_110 to %scan3A_112 step %scan3A_113 iter_args(%scan3A_142 = %broadcast_in_dim3A_109) -> (vector<16xf32>)  : i32 {
        %mul3A_143 = arith.constant 16 : i32
        %mul3A_144 = arith.muli %scan3A_141, %mul3A_143 : i32
        %get3A = arith.constant 0 : i32
        %get3A_145 = arith.index_cast %get3A : i32 to index
        %get3A_146 = arith.index_cast %mul3A_144 : i32 to index
        %get3A_147 = tpu.vector_load %arg10[%get3A_145, %get3A_146] {strides = array<i32>} : memref<2x2560xi32, #tpu.memory_space<vmem>>, vector<16xi32>,
        %get3A_148 = arith.constant 1 : i32
        %get3A_149 = arith.index_cast %get3A_148 : i32 to index
        %get3A_150 = arith.index_cast %mul3A_144 : i32 to index
        %get3A_151 = tpu.vector_load %arg10[%get3A_149, %get3A_150] {strides = array<i32>} : memref<2x2560xi32, #tpu.memory_space<vmem>>, vector<16xi32>,
        %get3A_152 = arith.index_cast %mul3A_144 : i32 to index
        %get3A_153 = tpu.vector_load %arg12[%get3A_152] {strides = array<i32>} : memref<2560xf32, #tpu.memory_space<vmem>>, vector<16xf32>,
        %gather3A = tpu.vector_load_idx %arg7[%get3A_147] : memref<10000xi32, #tpu.memory_space<vmem>>[vector<16xi32>], vector<16xi32>,
        %gather3A_154 = tpu.vector_load_idx %arg7[%get3A_151] : memref<10000xi32, #tpu.memory_space<vmem>>[vector<16xi32>], vector<16xi32>,
        %gather3A_155 = tpu.vector_load_idx %arg8[%gather3A, %gather3A_154] : memref<95x95xi32, #tpu.memory_space<vmem>>[vector<16xi32>, vector<16xi32>], vector<16xi32>,
        %shift_left3A = arith.constant 16 : i32
        %shift_left3A_156 = vector.broadcast %shift_left3A : i32 to vector<16xi32>
        %shift_left3A_157 = arith.shli %gather3A_155, %shift_left3A_156 : vector<16xi32>
        %bitcast3A = vector.bitcast %shift_left3A_157 : vector<16xi32> to vector<16xf32>
        %and3A = arith.constant -65536 : i32
        %and3A_158 = vector.broadcast %and3A : i32 to vector<16xi32>
        %and3A_159 = arith.andi %gather3A_155, %and3A_158 : vector<16xi32>
        %bitcast3A_160 = vector.bitcast %and3A_159 : vector<16xi32> to vector<16xf32>
        %mul3A_161 = arith.mulf %get3A_153, %get3A_153 : vector<16xf32>
        %mul3A_162 = arith.mulf %mul3A_161, %mul3A_161 : vector<16xf32>
        %mul3A_163 = arith.mulf %mul3A_162, %mul3A_161 : vector<16xf32>
        %mul3A_164 = arith.mulf %mul3A_162, %mul3A_162 : vector<16xf32>
        %add3A_165 = arith.constant 27557.0625 : f32
        %add3A_166 = vector.broadcast %add3A_165 : f32 to vector<16xf32>
        %add3A_167 = arith.addf %mul3A_163, %add3A_166 : vector<16xf32>
        %add3A_168 = arith.constant 832358.813 : f32
        %add3A_169 = vector.broadcast %add3A_168 : f32 to vector<16xf32>
        %add3A_170 = arith.addf %mul3A_164, %add3A_169 : vector<16xf32>
        %mul3A_171 = arith.mulf %bitcast3A, %add3A_170 : vector<16xf32>
        %mul3A_172 = arith.constant 2.641000e-01 : f32
        %mul3A_173 = vector.broadcast %mul3A_172 : f32 to vector<16xf32>
        %mul3A_174 = arith.mulf %mul3A_173, %bitcast3A_160 : vector<16xf32>
        %mul3A_175 = arith.mulf %mul3A_174, %add3A_167 : vector<16xf32>
        %add3A_176 = arith.addf %mul3A_171, %mul3A_175 : vector<16xf32>
        %mul3A_177 = arith.mulf %add3A_167, %add3A_170 : vector<16xf32>
        %div3A = arith.divf %add3A_176, %mul3A_177 : vector<16xf32>
        %add3A_178 = arith.addf %scan3A_142, %div3A : vector<16xf32>
        scf.yield %add3A_178 : vector<16xf32>
      }
      %scan3A_115 = arith.constant 160 : i32
      %mul3A_116 = arith.constant 32 : i32
      %mul3A_117 = arith.muli %mul3A_116, %add3A_97 : i32
      %add3A_118 = arith.addi %add3A, %mul3A_117 : i32
      %lt3A_119 = arith.constant 250 : i32
      %lt3A_120 = arith.cmpi slt, %add3A_118, %lt3A_119 : i32
      %convert_element_type3A_121 = arith.extui %lt3A_120 : i1 to i32
      %convert_element_type3A_122 = arith.sitofp %convert_element_type3A_121 : i32 to f32
      %add3A_123 = arith.constant 2 : i32
      %add3A_124 = arith.addi %add3A_97, %add3A_123 : i32
      %mul3A_125 = arith.constant 32 : i32
      %mul3A_126 = arith.muli %mul3A_125, %add3A_124 : i32
      %add3A_127 = arith.addi %add3A, %mul3A_126 : i32
      %min3A_128 = arith.constant 249 : i32
      %min3A_129 = arith.minsi %add3A_127, %min3A_128 : i32
      %mul3A_130 = arith.constant 2560 : i32
      %mul3A_131 = arith.muli %min3A_129, %mul3A_130 : i32
      %dma_start3A_132 = arith.constant 0 : i32
      %dma_start3A_133 = tpu.memref_slice %arg3[%dma_start3A_132, %mul3A_131] : memref<2x640000xi32, #tpu.memory_space<hbm>> -> memref<2x2560xi32, #tpu.memory_space<hbm>>
      %dma_start3A_134 = arith.constant 0 : i32
      %dma_start3A_135 = tpu.memref_slice %arg3[%dma_start3A_134, %mul3A_131] : memref<2x640000xi32, #tpu.memory_space<hbm>> -> memref<2x2560xi32, #tpu.memory_space<hbm>>
      tpu.enqueue_dma source(%dma_start3A_135 : memref<2x2560xi32, #tpu.memory_space<hbm>>) target(%arg10 : memref<2x2560xi32, #tpu.memory_space<vmem>>) target_semaphore(%arg16 : memref<!tpu.dma_semaphore, #tpu.memory_space<semaphore_mem>>)
      %dma_start3A_136 = tpu.memref_slice %arg4[%mul3A_131] : memref<640000xf32, #tpu.memory_space<hbm>> -> memref<2560xf32, #tpu.memory_space<hbm>>
      %dma_start3A_137 = tpu.memref_slice %arg4[%mul3A_131] : memref<640000xf32, #tpu.memory_space<hbm>> -> memref<2560xf32, #tpu.memory_space<hbm>>
      tpu.enqueue_dma source(%dma_start3A_137 : memref<2560xf32, #tpu.memory_space<hbm>>) target(%arg12 : memref<2560xf32, #tpu.memory_space<vmem>>) target_semaphore(%arg16 : memref<!tpu.dma_semaphore, #tpu.memory_space<semaphore_mem>>)
      %broadcast_in_dim3A_138 = vector.broadcast %convert_element_type3A_122 : f32 to vector<16xf32>
      %mul3A_139 = arith.mulf %scan3A_114, %broadcast_in_dim3A_138 : vector<16xf32>
      %add3A_140 = arith.addf %add3A_93, %mul3A_139 : vector<16xf32>
      scf.yield %add3A_140 : vector<16xf32>
    }
    %scan3A_28 = arith.constant 4 : i32
    %dma_wait3A = arith.constant 0 : i32
    %dma_wait3A_29 = arith.constant 0 : i32
    %dma_wait3A_30 = tpu.memref_slice %arg3[%dma_wait3A, %dma_wait3A_29] : memref<2x640000xi32, #tpu.memory_space<hbm>> -> memref<2x2560xi32, #tpu.memory_space<hbm>>
    %dma_wait3A_31 = arith.constant 0 : i32
    %dma_wait3A_32 = arith.constant 0 : i32
    %dma_wait3A_33 = tpu.memref_slice %arg3[%dma_wait3A_31, %dma_wait3A_32] : memref<2x640000xi32, #tpu.memory_space<hbm>> -> memref<2x2560xi32, #tpu.memory_space<hbm>>
    tpu.wait_dma2 semaphore(%arg15 : memref<!tpu.dma_semaphore, #tpu.memory_space<semaphore_mem>>) src(%dma_wait3A_33 : memref<2x2560xi32, #tpu.memory_space<hbm>>) dst(%arg9 : memref<2x2560xi32, #tpu.memory_space<vmem>>)
    %dma_wait3A_34 = arith.constant 0 : i32
    %dma_wait3A_35 = tpu.memref_slice %arg4[%dma_wait3A_34] : memref<640000xf32, #tpu.memory_space<hbm>> -> memref<2560xf32, #tpu.memory_space<hbm>>
    %dma_wait3A_36 = arith.constant 0 : i32
    %dma_wait3A_37 = tpu.memref_slice %arg4[%dma_wait3A_36] : memref<640000xf32, #tpu.memory_space<hbm>> -> memref<2560xf32, #tpu.memory_space<hbm>>
    tpu.wait_dma2 semaphore(%arg15 : memref<!tpu.dma_semaphore, #tpu.memory_space<semaphore_mem>>) src(%dma_wait3A_37 : memref<2560xf32, #tpu.memory_space<hbm>>) dst(%arg11 : memref<2560xf32, #tpu.memory_space<vmem>>)
    %dma_wait3A_38 = arith.constant 0 : i32
    %dma_wait3A_39 = arith.constant 0 : i32
    %dma_wait3A_40 = tpu.memref_slice %arg3[%dma_wait3A_38, %dma_wait3A_39] : memref<2x640000xi32, #tpu.memory_space<hbm>> -> memref<2x2560xi32, #tpu.memory_space<hbm>>
    %dma_wait3A_41 = arith.constant 0 : i32
    %dma_wait3A_42 = arith.constant 0 : i32
    %dma_wait3A_43 = tpu.memref_slice %arg3[%dma_wait3A_41, %dma_wait3A_42] : memref<2x640000xi32, #tpu.memory_space<hbm>> -> memref<2x2560xi32, #tpu.memory_space<hbm>>
    tpu.wait_dma2 semaphore(%arg16 : memref<!tpu.dma_semaphore, #tpu.memory_space<semaphore_mem>>) src(%dma_wait3A_43 : memref<2x2560xi32, #tpu.memory_space<hbm>>) dst(%arg10 : memref<2x2560xi32, #tpu.memory_space<vmem>>)
    %dma_wait3A_44 = arith.constant 0 : i32
    %dma_wait3A_45 = tpu.memref_slice %arg4[%dma_wait3A_44] : memref<640000xf32, #tpu.memory_space<hbm>> -> memref<2560xf32, #tpu.memory_space<hbm>>
    %dma_wait3A_46 = arith.constant 0 : i32
    %dma_wait3A_47 = tpu.memref_slice %arg4[%dma_wait3A_46] : memref<640000xf32, #tpu.memory_space<hbm>> -> memref<2560xf32, #tpu.memory_space<hbm>>
    tpu.wait_dma2 semaphore(%arg16 : memref<!tpu.dma_semaphore, #tpu.memory_space<semaphore_mem>>) src(%dma_wait3A_47 : memref<2560xf32, #tpu.memory_space<hbm>>) dst(%arg12 : memref<2560xf32, #tpu.memory_space<vmem>>)
    %swap3A = arith.constant 0 : index
    %swap3A_48 = tpu.vector_load %arg13[%swap3A] {strides = array<i32>} : memref<16xf32, #tpu.memory_space<vmem>>, vector<16xf32>,
    tpu.vector_store %arg13[%swap3A], %scan3A_27 {strides = array<i32>} : memref<16xf32, #tpu.memory_space<vmem>>, vector<16xf32>,
    "tpu.region"() ({
      %run_scoped3A = tpu.sem_alloc : memref<!tpu.dma_semaphore, #tpu.memory_space<semaphore_mem>>
      %dma_start3A_49 = arith.constant 0 : i32
      %dma_start3A_50 = tpu.memref_slice %arg6[%add3A, %dma_start3A_49] : memref<32x16xf32, #tpu.memory_space<hbm>> -> memref<1x16xf32, #tpu.memory_space<hbm>>
      %dma_start3A_51 = tpu.memref_squeeze %dma_start3A_50 : memref<1x16xf32, #tpu.memory_space<hbm>> -> memref<16xf32, #tpu.memory_space<hbm>>
      %dma_start3A_52 = arith.constant 0 : i32
      %dma_start3A_53 = tpu.memref_slice %arg6[%add3A, %dma_start3A_52] : memref<32x16xf32, #tpu.memory_space<hbm>> -> memref<1x16xf32, #tpu.memory_space<hbm>>
      %dma_start3A_54 = tpu.memref_squeeze %dma_start3A_53 : memref<1x16xf32, #tpu.memory_space<hbm>> -> memref<16xf32, #tpu.memory_space<hbm>>
      tpu.enqueue_dma source(%arg13 : memref<16xf32, #tpu.memory_space<vmem>>) target(%dma_start3A_54 : memref<16xf32, #tpu.memory_space<hbm>>) target_semaphore(%run_scoped3A : memref<!tpu.dma_semaphore, #tpu.memory_space<semaphore_mem>>)
      %dma_wait3A_55 = arith.constant 0 : i32
      %dma_wait3A_56 = tpu.memref_slice %arg6[%add3A, %dma_wait3A_55] : memref<32x16xf32, #tpu.memory_space<hbm>> -> memref<1x16xf32, #tpu.memory_space<hbm>>
      %dma_wait3A_57 = tpu.memref_squeeze %dma_wait3A_56 : memref<1x16xf32, #tpu.memory_space<hbm>> -> memref<16xf32, #tpu.memory_space<hbm>>
      %dma_wait3A_58 = arith.constant 0 : i32
      %dma_wait3A_59 = tpu.memref_slice %arg6[%add3A, %dma_wait3A_58] : memref<32x16xf32, #tpu.memory_space<hbm>> -> memref<1x16xf32, #tpu.memory_space<hbm>>
      %dma_wait3A_60 = tpu.memref_squeeze %dma_wait3A_59 : memref<1x16xf32, #tpu.memory_space<hbm>> -> memref<16xf32, #tpu.memory_space<hbm>>
      tpu.wait_dma2 semaphore(%run_scoped3A : memref<!tpu.dma_semaphore, #tpu.memory_space<semaphore_mem>>) src(%arg13 : memref<16xf32, #tpu.memory_space<vmem>>) dst(%dma_wait3A_60 : memref<16xf32, #tpu.memory_space<hbm>>)
      tpu.yield
    }) : () -> ()
    return
  }
}

</mosaic_0001>

<sc_bundles>
// kernel: kernel.3.cloned.1.call-start
scs
__scs_entry_jumppad:
0x0: {  	(pc) =	sbr.rel $0x88, $3  }
0x1: {  	(tag) =	ssettag $0x0;
	lr =	simm.s32 $0x1  }
0x2: {  	[smem:$0x3F9B] =	sst lr;
	_ =	strace $0xD0000000  }
0x3: {  	_ = 	snop  }
0x4: {  	_ = 	snop  }
0x5: {  	_ = 	snop  }
0x6: {  	_ = 	snop  }
0x7: {  	_ = 	snop  }
__scs_overlays_trampoline_lowered:
0x8: {  	[smem:$0x3FAA] =	sst s0  }
0x9: {  	[smem:$0x3FAB] =	sst s1  }
0xa: {  	[smem:$0x3FAC] =	sst s2  }
0xb: {  	[smem:$0x3FAD] =	sst s3  }
0xc: {  	[smem:$0x3FAE] =	sst s4  }
0xd: {  	[smem:$0x3FAF] =	sst s5  }
0xe: {  	[smem:$0x3FB0] =	sst s6  }
0xf: {  	[smem:$0x3FB1] =	sst s7  }
0x10: {  	[smem:$0x3FB2] =	sst s8  }
0x11: {  	[smem:$0x3FB3] =	sst s9;
	s0 =	simm.s32 @!p0 $0x0  }
0x12: {  	s1 =	sld [smem:$0x3F99];
	s0 =	simm.s32 @p0 $0x1  }
0x13: {  	[smem:$0x3FB4] =	sst s0;
	s0 =	simm.s32 @!p1 $0x0  }
0x14: {  	s2 =	sld [smem:$0x3F98];
	s0 =	simm.s32 @p1 $0x1  }
0x15: {  	[smem:$0x3FB5] =	sst s0;
	s0 =	simm.s32 @!p2 $0x0  }
0x16: {  	s3 =	sld [smem:$0x3FDB];
	s0 =	simm.s32 @p2 $0x1  }
0x17: {  	s4 =	simm.s32 $0x1BF5;
	[smem:$0x3FB7] =	sst s0  }
0x18: {  	s0 =	sld [smem:$0x3F9A];
	_ =	swait.ge [sflag:s4], $0x0  }
0x19: {  	s7 =	sld [smem:$0x3F9B]  }
0x1a: {  	s8 =	sadd.s32 $0xFFFFE003, lr  }
0x1b: {  	s9 =	sadd.s32 $0xFFFFFEF7, lr;
	s5 =	simm.s32 $0xFFFFFFFF;
	p2 =	slt.u32 s8, $0xFFFFF086  }
0x1c: {  	p1 =	slt.u32 s9, $0xF7A;
	s5 =	simm.s32 @!p2 $0x0  }
0x1d: {  	s5 =	simm.s32 @p1 $0x1;
	p0 =	seq.s32 s7, s2  }
0x1e: {  	s7 =	smul.u32 @!p0 $0xF7A, s2;
	p2 =	seq.s32 @!p0 s5, $0x0  }
0x1f: {  	s9 =	smul.u32 $0xF7A, s1;
	s8 =	simm.s32 @!p0 $0x1BF5;
	p2 =	por !p2, p0  }
0x20: {  	[sflag:s8] =	ssyncset.s32 @!p0 $0xFFFFF086;
	s6 =	sadd.s32 @!p0 s3, s7;
	s7 =	simm.s32 @!p0 $0x108  }
0x21: {  	s3 =	sadd.s32 s3, s9;
	s6 =	sadd.s32 @!p0 $0x88, s6;
	s7 =	simm.s32 @p2 $0x1082  }
0x22: {  	[simem:s7], [sflag:s8] =	dma.local @!p0 [hbm:s6], $0xF7A  }
0x23: {  	s9 =	sor.u32 $0xD0000000, s2;
	s6 =	simm.s32 $0x108;
	_ =	swait.ge @!p0 [sflag:s8], $0x0  }
0x24: {  	s3 =	sadd.s32 $0x88, s3;
	s6 =	simm.s32 @!p1 $0x1082;
	[sflag:s4] =	ssyncset.s32 $0xFFFFF086  }
0x25: {  	[simem:s6], [sflag:s4] =	dma.local [hbm:s3], $0xF7A  }
0x26: {  	[smem:$0x3F9B] =	sst s1;
	(tag) =	ssettag s2;
	_ =	strace s9  }
0x27: {  	s1 =	sld [smem:$0x3FAB]  }
0x28: {  	s2 =	sld [smem:$0x3FAC]  }
0x29: {  	s4 =	sld [smem:$0x3FAE]  }
0x2a: {  	p0 =	seq.s32 s5, $0x0;
	s5 =	sld [smem:$0x3FAF]  }
0x2b: {  	s6 =	sld [smem:$0x3FB0]  }
0x2c: {  	s7 =	sld [smem:$0x3FB1]  }
0x2d: {  	s3 =	simm.s32 $0x108;
	s8 =	sld [smem:$0x3FB2]  }
0x2e: {  	s3 =	simm.s32 @!p0 $0x1082;
	s9 =	sld [smem:$0x3FB3]  }
0x2f: {  	lr =	sadd.s32 s0, s3;
	s0 =	sld [smem:$0x3FAA]  }
0x30: {  	s3 =	sld [smem:$0x3FAD]  }
0x31: {  	[smem:$0x3FB6] =	sst s10  }
0x32: {  	s10 =	sld [smem:$0x3FB4];
	_ =	sdelay $0x3  }
0x33: {  	p0 =	seq.s32 s10, $0x1;
	s10 =	sld [smem:$0x3FB6];
	_ =	sdelay $0x3  }
0x34: {  	[smem:$0x3FB6] =	sst s10  }
0x35: {  	s10 =	sld [smem:$0x3FB5];
	_ =	sdelay $0x3  }
0x36: {  	p1 =	seq.s32 s10, $0x1;
	s10 =	sld [smem:$0x3FB6];
	_ =	sdelay $0x3  }
0x37: {  	[smem:$0x3FB6] =	sst s10  }
0x38: {  	s10 =	sld [smem:$0x3FB7]  }
0x39: {  	_ = 	snop;
	(pc) =	sbr.ind lr, $3  }
0x3a: {  	_ = 	snop  }
0x3b: {  	_ = 	snop  }
0x3c: {  	p2 =	seq.s32 s10, $0x1;
	s10 =	sld [smem:$0x3FB6]  }
0x3d: {  	_ =	shalt  }
0x3e: {  	_ =	shalt  }
0x3f: {  	_ =	shalt  }
0x40: {  	_ =	shalt  }
0x41: {  	_ =	shalt  }
0x42: {  	_ =	shalt  }
0x43: {  	_ =	shalt  }
0x44: {  	_ =	shalt  }
0x45: {  	_ =	shalt  }
0x46: {  	_ =	shalt  }
0x47: {  	_ =	shalt  }
0x48: {  	_ =	shalt  }
0x49: {  	_ =	shalt  }
0x4a: {  	_ =	shalt  }
0x4b: {  	_ =	shalt  }
0x4c: {  	_ =	shalt  }
0x4d: {  	_ =	shalt  }
0x4e: {  	_ =	shalt  }
0x4f: {  	_ =	shalt  }
0x50: {  	_ =	shalt  }
0x51: {  	_ =	shalt  }
0x52: {  	_ =	shalt  }
0x53: {  	_ =	shalt  }
0x54: {  	_ =	shalt  }
0x55: {  	_ =	shalt  }
0x56: {  	_ =	shalt  }
0x57: {  	_ =	shalt  }
0x58: {  	_ =	shalt  }
0x59: {  	_ =	shalt  }
0x5a: {  	_ =	shalt  }
0x5b: {  	_ =	shalt  }
0x5c: {  	_ =	shalt  }
0x5d: {  	_ =	shalt  }
0x5e: {  	_ =	shalt  }
0x5f: {  	_ =	shalt  }
0x60: {  	_ =	shalt  }
0x61: {  	_ =	shalt  }
0x62: {  	_ =	shalt  }
0x63: {  	_ =	shalt  }
0x64: {  	_ =	shalt  }
0x65: {  	_ =	shalt  }
0x66: {  	_ =	shalt  }
0x67: {  	_ =	shalt  }
0x68: {  	_ =	shalt  }
0x69: {  	_ =	shalt  }
0x6a: {  	_ =	shalt  }
0x6b: {  	_ =	shalt  }
0x6c: {  	_ =	shalt  }
0x6d: {  	_ =	shalt  }
0x6e: {  	_ =	shalt  }
0x6f: {  	_ =	shalt  }
0x70: {  	_ =	shalt  }
0x71: {  	_ =	shalt  }
0x72: {  	_ =	shalt  }
0x73: {  	_ =	shalt  }
0x74: {  	_ =	shalt  }
0x75: {  	_ =	shalt  }
0x76: {  	_ =	shalt  }
0x77: {  	_ =	shalt  }
0x78: {  	_ =	shalt  }
0x79: {  	_ =	shalt  }
0x7a: {  	_ =	shalt  }
0x7b: {  	_ =	shalt  }
0x7c: {  	_ =	shalt  }
0x7d: {  	_ =	shalt  }
0x7e: {  	_ =	shalt  }
0x7f: {  	_ =	shalt  }
0x80: {  	_ =	shalt  }
0x81: {  	_ =	shalt  }
0x82: {  	_ =	shalt  }
0x83: {  	_ =	shalt  }
0x84: {  	_ =	shalt  }
0x85: {  	_ =	shalt  }
0x86: {  	_ =	shalt  }
0x87: {  	_ =	shalt  }
.Lfunc_end0:
.L_simem_size_0:
called_computation_lowered:
.L_overlay_start_0:
0x88: {  	s2 =	sld [smem:$0x3FD9]  }
0x89: {  	s3 =	sld [smem:$0x3FFE];
	_ =	sdelay $0x1  }
0x8a: {  	s1 =	srdreg.scid  }
0x8b: {  	s0 =	sand.u32 $0x1, s1  }
0x8c: {  	s14 =	sshll.u32 s0, $0xA;
	s2 =	sadd.s32 s3, s2  }
0x8d: {  	s2 =	sadd.s32 s2, s14  }
0x8e: {  	[smem:$0x3FC2] =	sst s2  }
0x8f: {  	_ = 	snop  }
0x90: {  	s2 =	sld [smem:$0x3FD0];
	_ =	sdelay $0x1  }
0x91: {  	s15 =	sld [smem:$0x3FC7]  }
0x92: {  	s5 =	simm.s32 $0xA;
	s6 =	simm.s32 $0x10;
	s4 =	sld [smem:$0x3FC6]  }
0x93: {  	[smem:s6], [sflag:s5] =	dma.local [hbm:s2], $0x1  }
0x94: {  	_ =	swait.eq [sflag:s5], $0x1  }
0x95: {  	[sflag:s5] =	ssyncset.done $0x0  }
0x96: {  	[sflag:s5] =	ssyncadd.s32 $0xFFFFFFFF  }
0x97: {  	s16 =	sld [smem:$0x10];
	(tm) =	ssettm $0x1  }
0x98: {  	s17 =	sld [smem:$0x3FFB];
	_ =	sdelay $0x3  }
0x99: {  	_ =	strace s17  }
0x9a: {  	s5 =	sld [smem:$0x3FFC];
	_ =	sdelay $0x3  }
0x9b: {  	_ =	strace s5  }
0x9c: {  	s5 =	sld [smem:$0x3FFD];
	_ =	sdelay $0x3  }
0x9d: {  	_ =	strace s5  }
0x9e: {  	_ =	strace $0x8FFFFFFF  }
0x9f: {  	s18 =	sld [smem:$0x3FDB];
	_ =	sdelay $0x1  }
0xa0: {  	s19 =	simm.s32 $_scs_section_size  }
0xa1: {  	s7 =	simm.s32 $_size__tile_overlayer_lowered;
	s8 =	simm.s32 $_tile_overlayer_lowered  }
0xa2: {  	s22 =	simm.s32 $0x1BFF;
	s21 =	sshll.u32 s8, $0x1;
	s5 =	sadd.s32 s19, s18  }
0xa3: {  	s9 =	simm.s32 $0x0;
	s20 =	sshll.u32 s7, $0x1;
	s7 =	sadd.s32 s21, s5  }
0xa4: {  	[timem:s9], [sflag:s22] =	dma.local [hbm:s7], s20  }
0xa5: {  	_ =	swait.ge [sflag:s22], s20  }
0xa6: {  	s6 =	ssub.s32 $0x0, s20;
	[sflag:s22] =	ssyncset.done $0x0  }
0xa7: {  	[sflag:s22] =	ssyncadd.s32 s6;
	_ =	sdelay $0x1  }
0xa8: {  	s23 =	simm.s32 $0x1B8B  }
0xa9: {  	_ =	swait.ge [sflag:s23], $0x1  }
0xaa: {  	[sflag:s23] =	ssyncset.done $0x0  }
0xab: {  	s25 =	simm.s32 $0x1B8E;
	s24 =	sld [smem:$0x3FFE];
	[sflag:s23] =	ssyncadd.s32 $0xFFFFFFFF  }
0xac: {  	s26 =	simm.s32 $execute0_lowered;
	[smem:$0x3FD2] =	sst s25  }
0xad: {  	s7 =	sshll.u32 s26, $0x1;
	_ =	strace $0x80000046;
	[dreg:$0x1] =	wrdreg $0xFFFFFFFF  }
0xae: {  	s28 =	simm.s32 $_size_execute0_lowered;
	s5 =	sadd.s32 s5, s7;
	[dreg:$0x0] =	wrdreg $0x0  }
0xaf: {  	s7 =	sshll.u32 s28, $0x1;
	[dreg:$0x2] =	wrdreg s5  }
0xb0: {  	[dreg:$0x3] =	wrdreg s7  }
0xb1: {  	[dreg:$0x4] =	wrdreg $0xC0  }
0xb2: {  	_ =	task [dreg:s9], $0x5FFFF  }
0xb3: {  	[dreg:$0x1] =	wrdreg $0xFFFFFFFF  }
0xb4: {  	[dreg:$0x0] =	wrdreg $0x60  }
0xb5: {  	[dreg:$0x2] =	wrdreg s24  }
0xb6: {  	[dreg:$0x3] =	wrdreg s15  }
0xb7: {  	[dreg:$0x4] =	wrdreg s4  }
0xb8: {  	[dreg:$0x5] =	wrdreg s16  }
0xb9: {  	[dreg:$0x6] =	wrdreg $0x9  }
0xba: {  	_ =	task.clear_ibuf [dreg:s9], $0x7FFFF;
	_ =	strace $0x90000046  }
0xbb: {  	s29 =	simm.s32 $0x9;
	_ =	strace $0x80000048  }
0xbc: {  	_ =	swait.ge [sflag:s29], $0x1  }
0xbd: {  	[sflag:s29] =	ssyncadd.s32 $0xFFFFFFFF  }
0xbe: {  	_ =	strace $0x90000048  }
0xbf: {  	_ =	sfence  }
0xc0: {  	s30 =	sld [smem:$0x0];
	_ =	sdelay $0x2  }
0xc1: {  	s31 =	sshll.u32 s1, $0xD;
	s1 =	sshrl.u32 s1, $0x2  }
0xc2: {  	s3 =	sand.u32 $0x4000, s31;
	s1 =	sadd.s32 s1, s30  }
0xc3: {  	s0 =	sor.u32 s3, s0;
	s1 =	sshll.u32 s1, $0x11  }
0xc4: {  	s0 =	sor.u32 s1, s0  }
0xc5: {  	s0 =	sadd.s32 $0x8F2B, s0  }
0xc6: {  	[sflag:s0] =	ssyncadd.remote.s32 $0x1  }
0xc7: {  	_ =	sfence.sel $0xFFFF  }
0xc8: {  	[dreg:$0x0] =	wrdreg $0xFFFFFFFF;
	(pc) =	sbr.abs _section_cstart, $3  }
0xc9: {  	[dreg:$0x1] =	wrdreg $0xFFFFFFFF  }
0xca: {  	_ =	task.clear_ibuf [dreg:s9], $0x2FFFF;
	_ =	strace $0x9FFFFFFF  }
0xcb: {  	(tm) =	ssettm $0x7FFFFFFF  }
tec
execute0_lowered:
.L_overlay_start_1:
0x0: {  	(tag) =	ssettag $0x1  }
0x1: {  	s6 =	rddreg [dreg:$0x0]  }
0x2: {  	s2 =	rddreg [dreg:$0x1]  }
0x3: {  	s4 =	rddreg [dreg:$0x2];
	s0 =	srdreg.scid  }
0x4: {  	s1 =	stileid.u32;
	s3 =	rddreg [dreg:$0x3]  }
0x5: {  	s5 =	simm.s32 $0x0;
	s16 =	simm.s32 $0x2780;
	s17 =	simm.s32 $0x5780  }
0x6: {  	s18 =	simm.s32 $0x7F80;
	s19 =	simm.s32 $0x6B80;
	s20 =	simm.s32 $0x8980  }
0x7: {  	s21 =	simm.s32 $0x1;
	s22 =	simm.s32 $0x2;
	s23 =	simm.s32 $0x3  }
0x8: {  	s24 =	simm.s32 $0x9380;
	s25 =	simm.s32 $0x4;
	s26 =	simm.s32 $0x0  }
0x9: {  	s0 =	sand.u32 $0x1, s0;
	s13 =	sshll.u32 s1, $0x1;
	[smem:$0x7FF] =	sst s5  }
0xa: {  	s6 =	sadd.s32 $0x600, s6;
	s12 =	sor.u32 s0, s13;
	s0 =	ssub.s32 $0x2, s0  }
0xb: {  	_ =	strace $0x80000047;
	s13 =	ssub.s32 $0xDA, s13;
	s7 =	smul.u32 $0x280, s12  }
0xc: {  	s8 =	smul.u32 $0x140, s12;
	s9 =	sor.u32 $0x20, s12;
	s10 =	sshrl.u32 s0, $0x1  }
0xd: {  	s14 =	sshll.u32 s12, $0x4;
	s11 =	smul.u32 $0x280, s9;
	s0 =	ssub.s32 s0, s10  }
0xe: {  	s31 =	smul.u32 $0x140, s9;
	s14 =	sadd.s32 s3, s14;
	s7 =	sadd.s32 s2, s7  }
0xf: {  	s8 =	sadd.s32 s4, s8;
	s15 =	smax.u32 s0, $0x1;
	s9 =	sadd.s32 s2, s11  }
0x10: {  	s10 =	sadd.s32 s4, s31;
	s11 =	sor.u32 $0x40, s12;
	s12 =	sor.u32 $0x60, s12  }
.LBB2_1:
0x11: {  	[tilespmem:s5], [sflag:$0x1] =	stream.linear.gather [hbm4b:s6+s5], $0x2780, $0x38;
	[tilespmem:$0x9400] =	vst v63  }
0x12: {  	s0 =	rddreg [dreg:$0x0]  }
0x13: {  	[tilespmem:s16], [sflag:$0x1] =	stream.linear.gather [hbm4b:s0+s5], $0x2F80, $0x38;
	[tilespmem:$0x9400] =	vst v63  }
0x14: {  	_ = 	snop  }
0x15: {  	[tilespmem:s17], [sflag:$0x2] =	stream.linear.gather [hbm4b:s7+s5], $0x1400, $0x38;
	[tilespmem:$0x9400] =	vst v63  }
0x16: {  	_ = 	snop  }
0x17: {  	[tilespmem:s18], [sflag:$0x2] =	stream.linear.gather [hbm4b:s8+s5], $0xA00, $0x38;
	[tilespmem:$0x9400] =	vst v63  }
0x18: {  	_ = 	snop  }
0x19: {  	[tilespmem:s19], [sflag:$0x3] =	stream.linear.gather [hbm4b:s9+s5], $0x1400, $0x38;
	[tilespmem:$0x9400] =	vst v63  }
0x1a: {  	_ = 	snop  }
0x1b: {  	[tilespmem:s20], [sflag:$0x3] =	stream.linear.gather [hbm4b:s10+s5], $0xA00, $0x38;
	[tilespmem:$0x9400] =	vst v63  }
0x1c: {  	_ =	swait.ge [sflag:s21], $0x2780  }
0x1d: {  	[sflag:s21] =	ssyncset.done $0x0  }
0x1e: {  	[sflag:s21] =	ssyncadd.s32 $0xFFFFD880  }
0x1f: {  	_ =	swait.ge [sflag:s21], $0x2F80  }
0x20: {  	[sflag:s21] =	ssyncset.done $0x0  }
0x21: {  	v0 =	vimm.f32 $0.0e+00;
	s28 =	simm.s32 $0x0;
	[sflag:s21] =	ssyncadd.s32 $0xFFFFD080  }
.LBB2_2:
0x22: {  	_ =	swait.ge [sflag:s22], $0x1400  }
0x23: {  	[sflag:s22] =	ssyncset.done $0x0  }
0x24: {  	[sflag:s22] =	ssyncadd.s32 $0xFFFFEC00  }
0x25: {  	s0 =	simm.s32 $0x0;
	_ =	swait.ge [sflag:s22], $0xA00  }
0x26: {  	s3 =	sand.u32 $0x70, s0;
	s0 =	sand.u32 $0x1F00, s0;
	[sflag:s22] =	ssyncset.done $0x0  }
0x27: {  	s0 =	sor.u32 s3, s0;
	[sflag:s22] =	ssyncadd.s32 $0xFFFFF600  }
0x28: {  	v1 =	vld [tilespmem:s0+$0x5780]  }
0x29: {  	v2 =	vld [tilespmem:s0+$0x5800];
	_ =	sdelay $0x2  }
0x2a: {  	s1 =	simm.s32 $0x20;
	s3 =	simm.s32 $0x10  }
0x2b: {  	s29 =	simm.s32 $0x7F80;
	s0 =	sand.u32 $0x70, s3;
	s3 =	sand.u32 $0x1F00, s1  }
0x2c: {  	v3 =	vld [tilespmem:s29+$0x0];
	s0 =	sor.u32 s0, s3  }
0x2d: {  	v4 =	vld [tilespmem:s0+$0x5780]  }
0x2e: {  	v1 =	vld.idx.msk [tilespmem:v1+s5+$0x0], $0xffff  }
0x2f: {  	v2 =	vld.idx.msk [tilespmem:v2+s5+$0x0], $0xffff  }
0x30: {  	v5 =	vld [tilespmem:s0+$0x5800];
	_ =	sdelay $0x2  }
0x31: {  	s1 =	simm.s32 $0x40;
	s3 =	simm.s32 $0x20  }
0x32: {  	s29 =	simm.s32 $0x7F90;
	s0 =	sand.u32 $0x70, s3;
	s3 =	sand.u32 $0x1F00, s1;
	v3 =	vmul.f32 v3, v3;
	v7 =	vand.u32 $0xFFFFFF80, v2;
	v1 =	vshll.u32 v1, $0x7  }
0x33: {  	v6 =	vld [tilespmem:s29+$0x0];
	s0 =	sor.u32 s0, s3;
	v2 =	vand.u32 $0x7F, v2;
	v1 =	vadd.s32 v1, v7  }
0x34: {  	v9 =	vld [tilespmem:s0+$0x5780];
	v8 =	vmul.f32 v3, v3;
	v1 =	vor.u32 v2, v1  }
0x35: {  	v4 =	vld.idx.msk [tilespmem:v4+s5+$0x0], $0xffff  }
0x36: {  	v3 =	vmul.f32 v8, v3;
	v2 =	vld.idx.msk [tilespmem:v5+s5+$0x0], $0xffff;
	v5 =	vmul.f32 v8, v8  }
0x37: {  	v7 =	vld [tilespmem:s0+$0x5800]  }
0x38: {  	v3 =	vadd.f32 $2.755706250e+04, v3;
	v5 =	vadd.f32 $8.323588130e+05, v5  }
0x39: {  	s29 =	simm.s32 $0x7FA0;
	v8 =	vld.idx.msk [tilespmem:v1+s16+$0x0], $0xffff  }
0x3a: {  	v10 =	vld [tilespmem:s29+$0x0];
	v6 =	vmul.f32 v6, v6;
	v1 =	vmul.f32 v5, v3  }
0x3b: {  	s1 =	simm.s32 $0x60;
	s3 =	simm.s32 $0x30;
	v4 =	vshll.u32 v4, $0x7;
	v11 =	vand.u32 $0xFFFFFF80, v2;
	v2 =	vand.u32 $0x7F, v2  }
0x3c: {  	s0 =	sand.u32 $0x70, s3;
	s3 =	sand.u32 $0x1F00, s1;
	v4 =	vadd.s32 v4, v11;
	(erf) = vrcp.f32 v1;
	v1 =	vmul.f32 v6, v6  }
0x3d: {  	v9 =	vld.idx.msk [tilespmem:v9+s5+$0x0], $0xffff;
	s0 =	sor.u32 s0, s3;
	v4 =	vor.u32 v2, v4  }
0x3e: {  	v13 =	vld [tilespmem:s0+$0x5780];
	v2 =	vmul.f32 v1, v6;
	v6 =	vmul.f32 v1, v1;
	v1 =	vand.u32 $0xFFFF0000, v8  }
0x3f: {  	v14 =	vld.idx.msk [tilespmem:v7+s5+$0x0], $0xffff;
	v7 =	vmul.f32 v10, v10;
	v10 =	vmul.f32 $2.640999850e-01, v1  }
0x40: {  	v8 =	vshll.u32 v8, $0x10;
	v1 =	vadd.f32 $2.755706250e+04, v2;
	v2 =	vadd.f32 $8.323588130e+05, v6;
	v6 =	vld [tilespmem:s0+$0x5800]  }
0x41: {  	v5 =	vmul.f32 v8, v5  }
0x42: {  	v8 =	vmul.f32 v10, v3;
	v3 =	vld.idx.msk [tilespmem:v4+s16+$0x0], $0xffff;
	v4 =	vmul.f32 v2, v1  }
0x43: {  	s29 =	simm.s32 $0x80;
	s1 =	simm.s32 $0x40  }
0x44: {  	s30 =	simm.s32 $0x7FB0;
	s3 =	sand.u32 $0x70, s1;
	s1 =	sand.u32 $0x1F00, s29;
	v9 =	vshll.u32 v9, $0x7  }
0x45: {  	v12 =	vld [tilespmem:s30+$0x0];
	s3 =	sor.u32 s3, s1;
	v15 =	vand.u32 $0xFFFFFF80, v14;
	v10 =	vmul.f32 v7, v7;
	v5 =	vadd.f32 v8, v5  }
0x46: {  	v11 =	vld [tilespmem:s3+$0x5780];
	v8 =	vand.u32 $0x7F, v14;
	v14 =	vadd.s32 v9, v15;
	(erf) = vrcp.f32 v4;
	v4 =	vpop (erf)  }
0x47: {  	s31 =	simm.s32 $0x50;
	v9 =	vld.idx.msk [tilespmem:v13+s5+$0x0], $0xffff;
	v8 =	vor.u32 v8, v14;
	v5 =	vmul.f32 v5, v4;
	v4 =	vimm.f32 $0.0e+00  }
.LBB2_3:
0x48: {  	p0 =	sne.s32 s31, $0x9F0;
	v13 =	vld.idx.msk [tilespmem:v6+s5+$0x0], $0xffff;
	v14 =	vmul.f32 v10, v7  }
0x49: {  	v10 =	vmul.f32 v10, v10;
	v16 =	vand.u32 $0xFFFF0000, v3;
	v6 =	vld [tilespmem:s3+$0x5800];
	v4 =	vadd.f32 v5, v4  }
0x4a: {  	v5 =	vmul.f32 $2.640999850e-01, v16;
	v7 =	vmul.f32 v12, v12  }
0x4b: {  	v12 =	vadd.f32 $2.755706250e+04, v14;
	v14 =	vadd.f32 $8.323588130e+05, v10;
	v10 =	vshll.u32 v3, $0x10;
	v15 =	vmovc v11  }
.Ltmp0:
0x4c: {  	s29 =	sadd.s32 $0x20, s29;
	v5 =	vmul.f32 v5, v1;
	v3 =	vld.idx.msk [tilespmem:v8+s16+$0x0], $0xffff;
	v8 =	vmul.f32 v10, v2;
	(pc) =	sbr.rel @p0 .LBB2_3-.Ltmp0, $4  }
0x4d: {  	s0 =	sand.u32 $0x70, s31;
	s30 =	sadd.s32 $0x10, s30;
	s3 =	sand.u32 $0x1F00, s29;
	v10 =	vmul.f32 v7, v7;
	v16 =	vmul.f32 v14, v12;
	v1 =	vmovc v12;
	v2 =	vmov v14  }
0x4e: {  	s3 =	sor.u32 s0, s3;
	v9 =	vshll.u32 v9, $0x7;
	v17 =	vand.u32 $0xFFFFFF80, v13;
	v12 =	vld [tilespmem:s30+$0x0];
	v5 =	vadd.f32 v5, v8  }
0x4f: {  	v8 =	vand.u32 $0x7F, v13;
	v13 =	vadd.s32 v9, v17;
	v11 =	vld [tilespmem:s3+$0x5780];
	(erf) = vrcp.f32 v16;
	v14 =	vpop (erf)  }
0x50: {  	s31 =	sadd.s32 $0x10, s31;
	v8 =	vor.u32 v8, v13;
	v9 =	vld.idx.msk [tilespmem:v15+s5+$0x0], $0xffff;
	v5 =	vmul.f32 v5, v14  }
0x51: {  	s0 =	sadd.s32 $0x10, s30  }
0x52: {  	v13 =	vld [tilespmem:s0+$0x0];
	_ =	sdelay $0x1  }
0x53: {  	v14 =	vld [tilespmem:s3+$0x5800]  }
0x54: {  	v7 =	vmul.f32 v10, v7;
	v10 =	vmul.f32 v10, v10  }
0x55: {  	v12 =	vmul.f32 v12, v12  }
0x56: {  	v7 =	vadd.f32 $2.755706250e+04, v7;
	v10 =	vadd.f32 $8.323588130e+05, v10;
	v13 =	vmul.f32 v13, v13  }
0x57: {  	v6 =	vld.idx.msk [tilespmem:v6+s5+$0x0], $0xffff;
	v15 =	vmul.f32 v12, v12  }
0x58: {  	v16 =	vmul.f32 v10, v7;
	v17 =	vmul.f32 v13, v13  }
0x59: {  	v12 =	vmul.f32 v15, v12;
	v15 =	vmul.f32 v15, v15  }
0x5a: {  	v11 =	vld.idx.msk [tilespmem:v11+s5+$0x0], $0xffff;
	v13 =	vmul.f32 v17, v13;
	v17 =	vmul.f32 v17, v17  }
0x5b: {  	v9 =	vshll.u32 v9, $0x7;
	v14 =	vld.idx.msk [tilespmem:v14+s5+$0x0], $0xffff;
	v12 =	vadd.f32 $2.755706250e+04, v12;
	v15 =	vadd.f32 $8.323588130e+05, v15  }
0x5c: {  	v18 =	vand.u32 $0xFFFFFF80, v6;
	v13 =	vadd.f32 $2.755706250e+04, v13;
	v17 =	vadd.f32 $8.323588130e+05, v17  }
0x5d: {  	v6 =	vand.u32 $0x7F, v6;
	v9 =	vadd.s32 v9, v18;
	v55 =	vmul.f32 v15, v12  }
0x5e: {  	(erf) = vrcp.f32 v16;
	v6 =	vor.u32 v6, v9;
	v9 =	vmul.f32 v17, v13  }
0x5f: {  	(erf) = vrcp.f32 v55  }
0x60: {  	v11 =	vshll.u32 v11, $0x7;
	v56 =	vand.u32 $0xFFFFFF80, v14;
	(erf) = vrcp.f32 v9  }
0x61: {  	s29 =	sshll.u32 s28, $0x6;
	v14 =	vand.u32 $0x7F, v14;
	v11 =	vadd.s32 v11, v56  }
0x62: {  	s3 =	sadd.s32 s11, s29;
	v9 =	vor.u32 v14, v11  }
0x63: {  	s0 =	smin.u32 s3, $0xF9  }
0x64: {  	s1 =	smul.u32 $0x280, s0  }
0x65: {  	v8 =	vld.idx.msk [tilespmem:v8+s16+$0x0], $0xffff  }
0x66: {  	s30 =	simm.s32 $0x0;
	s0 =	smul.u32 $0x140, s0;
	s3 =	sadd.s32 s2, s1;
	v6 =	vld.idx.msk [tilespmem:v6+s16+$0x0], $0xffff;
	v11 =	vpop (erf)  }
0x67: {  	v14 =	vpop (erf);
	v9 =	vld.idx.msk [tilespmem:v9+s16+$0x0], $0xffff;
	[tilespmem:s17], [sflag:$0x2] =	stream.linear.gather [hbm4b:s3+s30], $0x1400, $0x38  }
0x68: {  	s0 =	sadd.s32 s4, s0;
	v57 =	vpop (erf)  }
0x69: {  	[tilespmem:s18], [sflag:$0x2] =	stream.linear.gather [hbm4b:s0+s30], $0xA00, $0x38;
	v58 =	vpop (erf);
	[tilespmem:$0x9400] =	vst v63  }
0x6a: {  	_ =	swait.ge [sflag:s23], $0x1400  }
0x6b: {  	[sflag:s23] =	ssyncset.done $0x0  }
0x6c: {  	[sflag:s23] =	ssyncadd.s32 $0xFFFFEC00  }
0x6d: {  	v22 =	vand.u32 $0xFFFF0000, v3;
	_ =	swait.ge [sflag:s23], $0xA00  }
0x6e: {  	v22 =	vmul.f32 $2.640999850e-01, v22;
	s1 =	sand.u32 $0x1F00, s30;
	s3 =	sand.u32 $0x70, s30;
	[sflag:s23] =	ssyncset.done $0x0  }
0x6f: {  	v3 =	vshll.u32 v3, $0x10;
	s0 =	sor.u32 s3, s1;
	[sflag:s23] =	ssyncadd.s32 $0xFFFFF600  }
0x70: {  	v2 =	vmul.f32 v3, v2;
	v1 =	vmul.f32 v22, v1;
	v3 =	vand.u32 $0xFFFF0000, v8;
	v19 =	vld [tilespmem:s0+$0x6B80]  }
0x71: {  	v3 =	vmul.f32 $2.640999850e-01, v3;
	v20 =	vld [tilespmem:s0+$0x6C00]  }
0x72: {  	v1 =	vadd.f32 v1, v2;
	v2 =	vshll.u32 v8, $0x10  }
0x73: {  	v2 =	vmul.f32 v2, v10;
	v3 =	vmul.f32 v3, v7;
	s3 =	simm.s32 $0x10;
	s1 =	simm.s32 $0x20;
	s30 =	simm.s32 $0x8980  }
0x74: {  	s0 =	sand.u32 $0x70, s3;
	s3 =	sand.u32 $0x1F00, s1;
	v21 =	vld [tilespmem:s30+$0x0];
	s30 =	simm.s32 $0x8990  }
0x75: {  	v2 =	vadd.f32 v3, v2;
	s0 =	sor.u32 s0, s3;
	v3 =	vld [tilespmem:s30+$0x0]  }
0x76: {  	v23 =	vld [tilespmem:s0+$0x6B80]  }
0x77: {  	v59 =	vld [tilespmem:s0+$0x6C00]  }
0x78: {  	v19 =	vld.idx.msk [tilespmem:v19+s5+$0x0], $0xffff  }
0x79: {  	v20 =	vld.idx.msk [tilespmem:v20+s5+$0x0], $0xffff  }
0x7a: {  	v4 =	vadd.f32 v5, v4;
	v5 =	vmul.f32 v21, v21  }
0x7b: {  	v1 =	vmul.f32 v1, v11  }
0x7c: {  	v10 =	vmul.f32 v5, v5  }
0x7d: {  	v2 =	vmul.f32 v2, v14;
	v1 =	vadd.f32 v1, v4;
	s1 =	simm.s32 $0x40;
	s3 =	simm.s32 $0x20;
	v3 =	vmul.f32 v3, v3  }
0x7e: {  	s0 =	sand.u32 $0x70, s3;
	s3 =	sand.u32 $0x1F00, s1;
	v5 =	vmul.f32 v10, v5;
	v14 =	vld.idx.msk [tilespmem:v23+s5+$0x0], $0xffff;
	v7 =	vand.u32 $0xFFFFFF80, v20;
	v8 =	vshll.u32 v19, $0x7  }
0x7f: {  	s0 =	sor.u32 s0, s3;
	v10 =	vmul.f32 v10, v10;
	v60 =	vld.idx.msk [tilespmem:v59+s5+$0x0], $0xffff;
	v11 =	vand.u32 $0x7F, v20;
	v7 =	vadd.s32 v8, v7  }
0x80: {  	v5 =	vadd.f32 $2.755706250e+04, v5;
	v8 =	vld [tilespmem:s0+$0x6B80];
	v7 =	vor.u32 v11, v7;
	v11 =	vand.u32 $0xFFFF0000, v6  }
0x81: {  	v10 =	vadd.f32 $8.323588130e+05, v10;
	v6 =	vshll.u32 v6, $0x10;
	v4 =	vmul.f32 $2.640999850e-01, v11;
	v11 =	vld [tilespmem:s0+$0x6C00]  }
0x82: {  	v6 =	vmul.f32 v6, v15;
	v15 =	vand.u32 $0xFFFF0000, v9;
	v9 =	vshll.u32 v9, $0x10  }
0x83: {  	v1 =	vadd.f32 v2, v1;
	v2 =	vmul.f32 v9, v17;
	v9 =	vmul.f32 v10, v5  }
0x84: {  	s1 =	simm.s32 $0x60;
	s3 =	simm.s32 $0x30;
	v4 =	vmul.f32 v4, v12;
	v12 =	vmul.f32 $2.640999850e-01, v15  }
0x85: {  	s30 =	simm.s32 $0x89A0;
	v14 =	vshll.u32 v14, $0x7;
	s0 =	sand.u32 $0x70, s3;
	s3 =	sand.u32 $0x1F00, s1;
	(erf) = vrcp.f32 v9;
	v9 =	vmul.f32 v3, v3;
	v7 =	vld.idx.msk [tilespmem:v7+s16+$0x0], $0xffff  }
0x86: {  	s0 =	sor.u32 s0, s3;
	v4 =	vadd.f32 v4, v6;
	v6 =	vmul.f32 v12, v13;
	v12 =	vld [tilespmem:s30+$0x0];
	v13 =	vand.u32 $0xFFFFFF80, v60  }
0x87: {  	v15 =	vand.u32 $0x7F, v60;
	v13 =	vadd.s32 v14, v13;
	v14 =	vld [tilespmem:s0+$0x6B80]  }
0x88: {  	v4 =	vmul.f32 v4, v57;
	v2 =	vadd.f32 v6, v2;
	v8 =	vld.idx.msk [tilespmem:v8+s5+$0x0], $0xffff;
	v6 =	vmul.f32 v9, v9  }
0x89: {  	v3 =	vmul.f32 v9, v3;
	v13 =	vor.u32 v15, v13;
	v15 =	vld.idx.msk [tilespmem:v11+s5+$0x0], $0xffff  }
0x8a: {  	v1 =	vadd.f32 v4, v1;
	v4 =	vadd.f32 $8.323588130e+05, v6;
	v6 =	vld [tilespmem:s0+$0x6C00];
	v9 =	vand.u32 $0xFFFF0000, v7  }
0x8b: {  	v7 =	vshll.u32 v7, $0x10;
	v9 =	vmul.f32 $2.640999850e-01, v9  }
0x8c: {  	v3 =	vadd.f32 $2.755706250e+04, v3;
	v2 =	vmul.f32 v2, v58;
	v10 =	vmul.f32 v7, v10  }
0x8d: {  	s1 =	simm.s32 $0x40;
	s30 =	simm.s32 $0x80;
	v7 =	vmul.f32 v12, v12;
	v9 =	vmul.f32 v9, v5  }
0x8e: {  	s31 =	simm.s32 $0x89B0;
	s3 =	sand.u32 $0x70, s1;
	s1 =	sand.u32 $0x1F00, s30;
	v1 =	vadd.f32 v2, v1;
	v61 =	vmul.f32 v4, v3;
	v8 =	vshll.u32 v8, $0x7;
	v5 =	vld.idx.msk [tilespmem:v13+s16+$0x0], $0xffff  }
0x8f: {  	s0 =	sor.u32 s3, s1;
	v12 =	vld [tilespmem:s31+$0x0];
	v11 =	vmul.f32 v7, v7;
	v62 =	vand.u32 $0xFFFFFF80, v15;
	v63 =	vadd.f32 v9, v10  }
0x90: {  	v13 =	vld [tilespmem:s0+$0x6B80];
	v10 =	vand.u32 $0x7F, v15;
	v8 =	vadd.s32 v8, v62;
	v15 =	vpop (erf);
	(erf) = vrcp.f32 v61  }
0x91: {  	s3 =	simm.s32 $0x50;
	v2 =	vimm.f32 $0.0e+00;
	v9 =	vld.idx.msk [tilespmem:v14+s5+$0x0], $0xffff;
	v10 =	vor.u32 v10, v8;
	v8 =	vmul.f32 v63, v15  }
.LBB2_5:
0x92: {  	p0 =	sne.s32 s3, $0x9F0;
	v14 =	vld.idx.msk [tilespmem:v6+s5+$0x0], $0xffff;
	v15 =	vmul.f32 v11, v7  }
0x93: {  	v11 =	vmul.f32 v11, v11;
	v17 =	vand.u32 $0xFFFF0000, v5;
	v6 =	vld [tilespmem:s0+$0x6C00];
	v2 =	vadd.f32 v8, v2  }
0x94: {  	v8 =	vmul.f32 $2.640999850e-01, v17;
	v7 =	vmul.f32 v12, v12  }
0x95: {  	v12 =	vadd.f32 $2.755706250e+04, v15;
	v15 =	vadd.f32 $8.323588130e+05, v11;
	v11 =	vshll.u32 v5, $0x10;
	v16 =	vmovc v13  }
.Ltmp1:
0x96: {  	s30 =	sadd.s32 $0x20, s30;
	v8 =	vmul.f32 v8, v3;
	v5 =	vld.idx.msk [tilespmem:v10+s16+$0x0], $0xffff;
	v10 =	vmul.f32 v11, v4;
	(pc) =	sbr.rel @p0 .LBB2_5-.Ltmp1, $4  }
0x97: {  	s31 =	sadd.s32 $0x10, s31;
	s0 =	sand.u32 $0x70, s3;
	s1 =	sand.u32 $0x1F00, s30;
	v11 =	vmul.f32 v7, v7;
	v17 =	vmul.f32 v15, v12;
	v3 =	vmovc v12;
	v4 =	vmov v15  }
0x98: {  	s0 =	sor.u32 s0, s1;
	v9 =	vshll.u32 v9, $0x7;
	v18 =	vand.u32 $0xFFFFFF80, v14;
	v12 =	vld [tilespmem:s31+$0x0];
	v8 =	vadd.f32 v8, v10  }
0x99: {  	v10 =	vand.u32 $0x7F, v14;
	v14 =	vadd.s32 v9, v18;
	v13 =	vld [tilespmem:s0+$0x6B80];
	(erf) = vrcp.f32 v17;
	v15 =	vpop (erf)  }
0x9a: {  	s3 =	sadd.s32 $0x10, s3;
	v10 =	vor.u32 v10, v14;
	v9 =	vld.idx.msk [tilespmem:v16+s5+$0x0], $0xffff;
	v8 =	vmul.f32 v8, v15  }
0x9b: {  	v14 =	vld [tilespmem:s0+$0x6C00];
	_ =	sdelay $0x4  }
0x9c: {  	v6 =	vld.idx.msk [tilespmem:v6+s5+$0x0], $0xffff;
	s30 =	sadd.s32 $0x10, s31  }
0x9d: {  	v15 =	vld [tilespmem:s30+$0x0]  }
0x9e: {  	v12 =	vmul.f32 v12, v12;
	v13 =	vld.idx.msk [tilespmem:v13+s5+$0x0], $0xffff  }
0x9f: {  	v7 =	vmul.f32 v11, v7;
	v43 =	vmul.f32 v11, v11;
	v14 =	vld.idx.msk [tilespmem:v14+s5+$0x0], $0xffff  }
0xa0: {  	v17 =	vand.u32 $0xFFFF0000, v5;
	v44 =	vmul.f32 v12, v12  }
0xa1: {  	v7 =	vadd.f32 $2.755706250e+04, v7;
	v11 =	vadd.f32 $8.323588130e+05, v43;
	v9 =	vshll.u32 v9, $0x7  }
0xa2: {  	v16 =	vand.u32 $0xFFFFFF80, v6;
	v6 =	vand.u32 $0x7F, v6;
	v45 =	vmul.f32 v44, v12  }
0xa3: {  	v9 =	vadd.s32 v9, v16;
	v46 =	vmul.f32 v15, v15;
	v47 =	vmul.f32 v44, v44  }
0xa4: {  	v6 =	vor.u32 v6, v9;
	v13 =	vshll.u32 v13, $0x7;
	v48 =	vand.u32 $0xFFFFFF80, v14  }
0xa5: {  	v49 =	vmul.f32 v46, v46;
	v14 =	vand.u32 $0x7F, v14;
	v13 =	vadd.s32 v13, v48  }
0xa6: {  	v10 =	vld.idx.msk [tilespmem:v10+s16+$0x0], $0xffff;
	v50 =	vmul.f32 v11, v7;
	v9 =	vadd.f32 $2.755706250e+04, v45;
	v13 =	vor.u32 v14, v13  }
0xa7: {  	v15 =	vadd.f32 $8.323588130e+05, v47;
	v12 =	vmul.f32 v49, v46;
	v16 =	vmul.f32 v49, v49  }
0xa8: {  	v51 =	vshll.u32 v5, $0x10;
	v17 =	vmul.f32 $2.640999850e-01, v17;
	(erf) = vrcp.f32 v50  }
0xa9: {  	v52 =	vmul.f32 v15, v9;
	v6 =	vld.idx.msk [tilespmem:v6+s16+$0x0], $0xffff;
	v12 =	vadd.f32 $2.755706250e+04, v12;
	v16 =	vadd.f32 $8.323588130e+05, v16  }
0xaa: {  	v4 =	vmul.f32 v51, v4;
	v3 =	vmul.f32 v17, v3  }
0xab: {  	v53 =	vand.u32 $0xFFFF0000, v10;
	(erf) = vrcp.f32 v52;
	v54 =	vmul.f32 v16, v12;
	v13 =	vld.idx.msk [tilespmem:v13+s16+$0x0], $0xffff  }
0xac: {  	v2 =	vadd.f32 v8, v2;
	v5 =	vmul.f32 $2.640999850e-01, v53  }
0xad: {  	v3 =	vadd.f32 v3, v4;
	v55 =	vshll.u32 v10, $0x10;
	(erf) = vrcp.f32 v54  }
0xae: {  	v4 =	vmul.f32 v55, v11;
	v56 =	vpop (erf);
	v5 =	vmul.f32 v5, v7;
	v57 =	vand.u32 $0xFFFF0000, v6  }
0xaf: {  	v3 =	vmul.f32 v3, v56;
	v6 =	vshll.u32 v6, $0x10;
	v7 =	vmul.f32 $2.640999850e-01, v57  }
0xb0: {  	v4 =	vadd.f32 v5, v4;
	v58 =	vmul.f32 v6, v15;
	v59 =	vand.u32 $0xFFFF0000, v13  }
0xb1: {  	v60 =	vpop (erf);
	v7 =	vmul.f32 v7, v9;
	v6 =	vmul.f32 $2.640999850e-01, v59  }
0xb2: {  	v2 =	vadd.f32 v3, v2;
	v3 =	vmul.f32 v4, v60;
	v61 =	vshll.u32 v13, $0x10  }
0xb3: {  	v5 =	vadd.f32 v7, v58;
	v4 =	vmul.f32 v61, v16;
	v6 =	vmul.f32 v6, v12  }
0xb4: {  	v62 =	vpop (erf)  }
0xb5: {  	v2 =	vadd.f32 v3, v2;
	v3 =	vmul.f32 v5, v62;
	v4 =	vadd.f32 v6, v4  }
0xb6: {  	s31 =	sadd.s32 s12, s29;
	p0 =	slt.u32 s29, s13;
	v63 =	vpop (erf)  }
0xb7: {  	s3 =	simm.f32 $1.000000000e+00;
	s28 =	sadd.s32 $0x1, s28;
	s0 =	smin.u32 s31, $0xF9;
	v2 =	vadd.f32 v3, v2;
	v3 =	vmul.f32 v4, v63  }
0xb8: {  	s3 =	simm.s32 @!p0 $0x0;
	p0 =	sne.s32 s28, $0x4;
	s1 =	smul.u32 $0x280, s0  }
.Ltmp2:
0xb9: {  	v2 =	vadd.f32 v3, v2;
	(pc) =	sbr.rel @p0 .LBB2_2-.Ltmp2, $4  }
0xba: {  	s0 =	smul.u32 $0x140, s0;
	s1 =	sadd.s32 s2, s1  }
0xbb: {  	v0 =	vadd.f32 v1, v0;
	[tilespmem:s19], [sflag:$0x3] =	stream.linear.gather [hbm4b:s1+s5], $0x1400, $0x38;
	v1 =	vmul.f32 s3, v2;
	[tilespmem:$0x9400] =	vst v63  }
0xbc: {  	s0 =	sadd.s32 s4, s0  }
0xbd: {  	[tilespmem:s20], [sflag:$0x3] =	stream.linear.gather [hbm4b:s0+s5], $0xA00, $0x38;
	v0 =	vadd.f32 v1, v0;
	[tilespmem:$0x9400] =	vst v63  }
0xbe: {  	_ =	swait.ge [sflag:s22], $0x1400  }
0xbf: {  	[sflag:s22] =	ssyncset.done $0x0  }
0xc0: {  	[sflag:s22] =	ssyncadd.s32 $0xFFFFEC00  }
0xc1: {  	_ =	swait.ge [sflag:s22], $0xA00  }
0xc2: {  	[sflag:s22] =	ssyncset.done $0x0  }
0xc3: {  	[sflag:s22] =	ssyncadd.s32 $0xFFFFF600  }
0xc4: {  	_ =	swait.ge [sflag:s23], $0x1400  }
0xc5: {  	[sflag:s23] =	ssyncset.done $0x0  }
0xc6: {  	[sflag:s23] =	ssyncadd.s32 $0xFFFFEC00  }
0xc7: {  	_ =	swait.ge [sflag:s23], $0xA00  }
0xc8: {  	s26 =	sadd.s32 $0x1, s26;
	[sflag:s23] =	ssyncset.done $0x0  }
0xc9: {  	p0 =	sne.s32 s26, s15;
	[sflag:s23] =	ssyncadd.s32 $0xFFFFF600  }
.Ltmp3:
0xca: {  	[tilespmem:$0x9380] =	vst v0;
	(pc) =	sbr.rel @p0 .LBB2_1-.Ltmp3, $4  }
0xcb: {  	[hbm4b:s14+s5] =	stream.linear.scatter [tilespmem:s24], [sflag:$0x4], $0x80, $0x38;
	[tilespmem:$0x9400] =	vst v63  }
0xcc: {  	_ =	swait.ge [sflag:s25], $0x80  }
0xcd: {  	[sflag:s25] =	ssyncset.done $0x0  }
0xce: {  	[sflag:s25] =	ssyncadd.s32 $0xFFFFFF80  }
0xcf: {  	_ =	sfence.sel $0x180000  }
0xd0: {  	[bflag:$0x0] =	sbarrier.arrive $0xFFFF  }
0xd1: {  	_ =	strace $0x90000047  }
0xd2: {  	s0 =	stileid.u32;
	[bflag:$0x2] =	sbarrier.arrive $0xFFFF  }
0xd3: {  	p0 =	sne.s32 s0, $0x0;
	s0 =	rddreg [dreg:$0x4]  }
0xd4: {  	s0 =	sadd.s32 @!p0 $0x100000, s0  }
0xd5: {  	[sflag:s0] =	ssyncadd.tile.s32 @!p0 $0x1;
	_ =	shalt  }
.Lfunc_end2:
_tile_overlayer_lowered:
.L_overlay_start_2:
0xd6: {  	(tag) =	ssettag $0x2  }
0xd7: {  	s0 =	rddreg [dreg:$0x0];
	s2 =	stileid.u32  }
0xd8: {  	s1 =	rddreg [dreg:$0x1];
	p0 =	sne.s32 s2, $0x0  }
0xd9: {  	s3 =	rddreg [dreg:$0x2];
	[bflag:$0x3] =	sbarrier.arrive $0xFFFF;
	s2 =	simm.s32 @!p0 $0x1C04  }
0xda: {  	[timem:s3], [sflag:s2] =	dma.local @!p0 [hbm:s0], s1  }
0xdb: {  	s0 =	simm.s32 @!p0 $0x4  }
0xdc: {  	_ =	swait.ge @!p0 [sflag:s0], s1  }
0xdd: {  	s1 =	ssub.s32 @!p0 $0x0, s1;
	[sflag:s0] =	ssyncset.done @!p0 $0x0  }
0xde: {  	[sflag:s0] =	ssyncadd.s32 @!p0 s1  }
0xdf: {  	[bflag:$0x3] =	sbarrier.arrive $0xFFFF  }
0xe0: {  	_ =	shalt  }

</sc_bundles>
